<compile_context>
chip_gen: v7x
topology: tpu7x:2x2x1
jax: 0.10.2.dev20260603
libtpu: 0.0.44.dev20260713+nightly
codegen_flags: <defaults>
</compile_context>

<pallas_src>
import functools

import jax
import jax.numpy as jnp
from jax import lax
from jax.experimental import pallas as pl
from jax.experimental.pallas import tpu as pltpu
from jax.experimental.pallas import tpu_sc as plsc

_N_ROWS = 64
_D = 128


def _make_gather():
    mesh = plsc.ScalarSubcoreMesh(axis_name="c", num_cores=1)

    @functools.partial(
        pl.kernel,
        mesh=mesh,
        out_type=jax.ShapeDtypeStruct((_N_ROWS, _D), jnp.float32),
        scratch_types=[
            pltpu.SMEM((_N_ROWS,), jnp.int32),
            pltpu.SemaphoreType.DMA,
        ],
    )
    def gather_kernel(table_hbm, idx_hbm, out_hbm, idx_s, sem):
        pltpu.sync_copy(idx_hbm, idx_s)

        def body(j, carry):
            for u in range(4):
                i = j * 4 + u
                pltpu.make_async_copy(
                    table_hbm.at[pl.ds(idx_s[i], 1)], out_hbm.at[pl.ds(i, 1)],
                    sem).start()
            return carry

        lax.fori_loop(0, _N_ROWS // 4, body, 0)
        pltpu.make_async_copy(
            table_hbm.at[pl.ds(0, _N_ROWS)], out_hbm, sem).wait()

    return gather_kernel


_gather = _make_gather()


def kernel(table, idx):
    return _gather(table, idx.astype(jnp.int32))

# --- scband reference (transcript-rebuilt; emitter-appended) ---
"""Pipeline reference for scband-nuclei-embedding-22600117911705 (READ-ONLY COPY).

The authoritative reference and input builder live on the scoring server;
editing this copy changes nothing except your own understanding.
"""

import jax, jax.numpy as jnp
import numpy as np

CHARGES = np.array([1,1,6,6,7,8,8,16]*8, dtype=np.int64)  # 64 nuclei
N_ATOM_TYPES = 119
EMBED_DIM = 128


def setup_inputs(seed: int = 0) -> dict:
    key = jax.random.key(seed)
    charges = jnp.asarray(CHARGES)
    # atom_type_embedding=True, subnet_type='embed':
    # input = jnp.unique(charges, size=len(charges), return_inverse=True)[-1]
    idx = jnp.unique(charges, size=len(CHARGES), return_inverse=True)[-1]
    idx = jnp.reshape(idx, (len(CHARGES),)).astype(jnp.int64)
    # hk.Embed(n_nuc_types=N_ATOM_TYPES, EMBED_DIM) parameter table
    table = jax.random.normal(key, (N_ATOM_TYPES, EMBED_DIM), dtype=jnp.float32)
    return {"table": table, "idx": idx}


def reference(table, idx):
    # NucleiEmbedding.__call__ with subnet_type='embed': subnet(self.input) == table[idx]
    return jnp.take(table, idx, axis=0)

if __name__ == "__main__":
    import jax
    _d = setup_inputs()
    print(jax.jit(kernel)(*tuple(_d.values())))

</pallas_src>

<mosaic_0001>
#map = affine_map<(d0) -> (0, 0)>
#map1 = affine_map<(d0) -> (0)>
module attributes {stable_mosaic.version = 14 : i64} {
  func.func @gather_kernel(%arg0: i32, %arg1: memref<119x128xf32, #tpu.memory_space<hbm>>, %arg2: memref<64xi32, #tpu.memory_space<hbm>>, %arg3: memref<64x128xf32, #tpu.memory_space<hbm>>, %arg4: memref<64xi32, #tpu.memory_space<smem>>, %arg5: memref<!tpu.dma_semaphore, #tpu.memory_space<semaphore_mem>>) attributes {dimension_semantics = [#tpu.dimension_semantics<core_parallel>], iteration_bounds = array<i64: 1>, scalar_prefetch = 0 : i64, scratch_operands = 2 : i64, tpu.core_type = #tpu.core_type<sc_scalar_subcore>, window_params = [{transform_indices = #map}, {transform_indices = #map1}, {transform_indices = #map}]} {
    "tpu.region"() ({
      %run_scoped3A = tpu.sem_alloc : memref<!tpu.dma_semaphore, #tpu.memory_space<semaphore_mem>>
      tpu.enqueue_dma source(%arg2 : memref<64xi32, #tpu.memory_space<hbm>>) target(%arg4 : memref<64xi32, #tpu.memory_space<smem>>) target_semaphore(%run_scoped3A : memref<!tpu.dma_semaphore, #tpu.memory_space<semaphore_mem>>)
      tpu.wait_dma2 semaphore(%run_scoped3A : memref<!tpu.dma_semaphore, #tpu.memory_space<semaphore_mem>>) src(%arg2 : memref<64xi32, #tpu.memory_space<hbm>>) dst(%arg4 : memref<64xi32, #tpu.memory_space<smem>>)
      tpu.yield
    }) : () -> ()
    %scan3A = arith.constant 0 : i32
    %scan3A_0 = arith.constant 0 : i32
    %scan3A_1 = arith.constant 16 : i32
    %scan3A_2 = arith.addi %scan3A_0, %scan3A_1 : i32
    %scan3A_3 = arith.constant 1 : i32
    scf.for %scan3A_7 = %scan3A_0 to %scan3A_2 step %scan3A_3  : i32 {
      %mul3A = arith.constant 4 : i32
      %mul3A_8 = arith.muli %scan3A_7, %mul3A : i32
      %add3A = arith.constant 0 : i32
      %add3A_9 = arith.addi %mul3A_8, %add3A : i32
      %get3A = arith.index_cast %add3A_9 : i32 to index
      %get3A_10 = memref.load %arg4[%get3A] : memref<64xi32, #tpu.memory_space<smem>>
      %dma_start3A = arith.constant 0 : i32
      %dma_start3A_11 = tpu.memref_slice %arg3[%add3A_9, %dma_start3A] : memref<64x128xf32, #tpu.memory_space<hbm>> -> memref<1x128xf32, #tpu.memory_space<hbm>>
      %dma_start3A_12 = arith.constant 0 : i32
      %dma_start3A_13 = tpu.memref_slice %arg1[%get3A_10, %dma_start3A_12] : memref<119x128xf32, #tpu.memory_space<hbm>> -> memref<1x128xf32, #tpu.memory_space<hbm>>
      tpu.enqueue_dma source(%dma_start3A_13 : memref<1x128xf32, #tpu.memory_space<hbm>>) target(%dma_start3A_11 : memref<1x128xf32, #tpu.memory_space<hbm>>) target_semaphore(%arg5 : memref<!tpu.dma_semaphore, #tpu.memory_space<semaphore_mem>>)
      %mul3A_14 = arith.constant 4 : i32
      %mul3A_15 = arith.muli %scan3A_7, %mul3A_14 : i32
      %add3A_16 = arith.constant 1 : i32
      %add3A_17 = arith.addi %mul3A_15, %add3A_16 : i32
      %get3A_18 = arith.index_cast %add3A_17 : i32 to index
      %get3A_19 = memref.load %arg4[%get3A_18] : memref<64xi32, #tpu.memory_space<smem>>
      %dma_start3A_20 = arith.constant 0 : i32
      %dma_start3A_21 = tpu.memref_slice %arg3[%add3A_17, %dma_start3A_20] : memref<64x128xf32, #tpu.memory_space<hbm>> -> memref<1x128xf32, #tpu.memory_space<hbm>>
      %dma_start3A_22 = arith.constant 0 : i32
      %dma_start3A_23 = tpu.memref_slice %arg1[%get3A_19, %dma_start3A_22] : memref<119x128xf32, #tpu.memory_space<hbm>> -> memref<1x128xf32, #tpu.memory_space<hbm>>
      tpu.enqueue_dma source(%dma_start3A_23 : memref<1x128xf32, #tpu.memory_space<hbm>>) target(%dma_start3A_21 : memref<1x128xf32, #tpu.memory_space<hbm>>) target_semaphore(%arg5 : memref<!tpu.dma_semaphore, #tpu.memory_space<semaphore_mem>>)
      %mul3A_24 = arith.constant 4 : i32
      %mul3A_25 = arith.muli %scan3A_7, %mul3A_24 : i32
      %add3A_26 = arith.constant 2 : i32
      %add3A_27 = arith.addi %mul3A_25, %add3A_26 : i32
      %get3A_28 = arith.index_cast %add3A_27 : i32 to index
      %get3A_29 = memref.load %arg4[%get3A_28] : memref<64xi32, #tpu.memory_space<smem>>
      %dma_start3A_30 = arith.constant 0 : i32
      %dma_start3A_31 = tpu.memref_slice %arg3[%add3A_27, %dma_start3A_30] : memref<64x128xf32, #tpu.memory_space<hbm>> -> memref<1x128xf32, #tpu.memory_space<hbm>>
      %dma_start3A_32 = arith.constant 0 : i32
      %dma_start3A_33 = tpu.memref_slice %arg1[%get3A_29, %dma_start3A_32] : memref<119x128xf32, #tpu.memory_space<hbm>> -> memref<1x128xf32, #tpu.memory_space<hbm>>
      tpu.enqueue_dma source(%dma_start3A_33 : memref<1x128xf32, #tpu.memory_space<hbm>>) target(%dma_start3A_31 : memref<1x128xf32, #tpu.memory_space<hbm>>) target_semaphore(%arg5 : memref<!tpu.dma_semaphore, #tpu.memory_space<semaphore_mem>>)
      %mul3A_34 = arith.constant 4 : i32
      %mul3A_35 = arith.muli %scan3A_7, %mul3A_34 : i32
      %add3A_36 = arith.constant 3 : i32
      %add3A_37 = arith.addi %mul3A_35, %add3A_36 : i32
      %get3A_38 = arith.index_cast %add3A_37 : i32 to index
      %get3A_39 = memref.load %arg4[%get3A_38] : memref<64xi32, #tpu.memory_space<smem>>
      %dma_start3A_40 = arith.constant 0 : i32
      %dma_start3A_41 = tpu.memref_slice %arg3[%add3A_37, %dma_start3A_40] : memref<64x128xf32, #tpu.memory_space<hbm>> -> memref<1x128xf32, #tpu.memory_space<hbm>>
      %dma_start3A_42 = arith.constant 0 : i32
      %dma_start3A_43 = tpu.memref_slice %arg1[%get3A_39, %dma_start3A_42] : memref<119x128xf32, #tpu.memory_space<hbm>> -> memref<1x128xf32, #tpu.memory_space<hbm>>
      tpu.enqueue_dma source(%dma_start3A_43 : memref<1x128xf32, #tpu.memory_space<hbm>>) target(%dma_start3A_41 : memref<1x128xf32, #tpu.memory_space<hbm>>) target_semaphore(%arg5 : memref<!tpu.dma_semaphore, #tpu.memory_space<semaphore_mem>>)
    }
    %scan3A_4 = arith.constant 16 : i32
    %dma_wait3A = arith.constant 0 : i32
    %dma_wait3A_5 = arith.constant 0 : i32
    %dma_wait3A_6 = tpu.memref_slice %arg1[%dma_wait3A, %dma_wait3A_5] : memref<119x128xf32, #tpu.memory_space<hbm>> -> memref<64x128xf32, #tpu.memory_space<hbm>>
    tpu.wait_dma2 semaphore(%arg5 : memref<!tpu.dma_semaphore, #tpu.memory_space<semaphore_mem>>) src(%dma_wait3A_6 : memref<64x128xf32, #tpu.memory_space<hbm>>) dst(%arg3 : memref<64x128xf32, #tpu.memory_space<hbm>>)
    return
  }
}

</mosaic_0001>

<sc_bundles>
// kernel: kernel.3.cloned.1.call-start
scs
__scs_entry_jumppad:
0x0: {  	(pc) =	sbr.rel $0x88, $3  }
0x1: {  	(tag) =	ssettag $0x0;
	lr =	simm.s32 $0x1  }
0x2: {  	[smem:$0x3F9F] =	sst lr;
	_ =	strace $0xD0000000  }
0x3: {  	_ = 	snop  }
0x4: {  	_ = 	snop  }
0x5: {  	_ = 	snop  }
0x6: {  	_ = 	snop  }
0x7: {  	_ = 	snop  }
__scs_overlays_trampoline_lowered:
0x8: {  	[smem:$0x3FAE] =	sst s0  }
0x9: {  	[smem:$0x3FAF] =	sst s1  }
0xa: {  	[smem:$0x3FB0] =	sst s2  }
0xb: {  	[smem:$0x3FB1] =	sst s3  }
0xc: {  	[smem:$0x3FB2] =	sst s4  }
0xd: {  	[smem:$0x3FB3] =	sst s5  }
0xe: {  	[smem:$0x3FB4] =	sst s6  }
0xf: {  	[smem:$0x3FB5] =	sst s7  }
0x10: {  	[smem:$0x3FB6] =	sst s8  }
0x11: {  	[smem:$0x3FB7] =	sst s9;
	s0 =	simm.s32 @!p0 $0x0  }
0x12: {  	s1 =	sld [smem:$0x3F9D];
	s0 =	simm.s32 @p0 $0x1  }
0x13: {  	[smem:$0x3FB8] =	sst s0;
	s0 =	simm.s32 @!p1 $0x0  }
0x14: {  	s2 =	sld [smem:$0x3F9C];
	s0 =	simm.s32 @p1 $0x1  }
0x15: {  	[smem:$0x3FB9] =	sst s0;
	s0 =	simm.s32 @!p2 $0x0  }
0x16: {  	s3 =	sld [smem:$0x3FDB];
	s0 =	simm.s32 @p2 $0x1  }
0x17: {  	s4 =	simm.s32 $0x1BF5;
	[smem:$0x3FBB] =	sst s0  }
0x18: {  	s0 =	sld [smem:$0x3F9E];
	_ =	swait.ge [sflag:s4], $0x0  }
0x19: {  	s7 =	sld [smem:$0x3F9F]  }
0x1a: {  	s8 =	sadd.s32 $0xFFFFE003, lr  }
0x1b: {  	s9 =	sadd.s32 $0xFFFFFEF7, lr;
	s5 =	simm.s32 $0xFFFFFFFF;
	p2 =	slt.u32 s8, $0xFFFFF086  }
0x1c: {  	p1 =	slt.u32 s9, $0xF7A;
	s5 =	simm.s32 @!p2 $0x0  }
0x1d: {  	s5 =	simm.s32 @p1 $0x1;
	p0 =	seq.s32 s7, s2  }
0x1e: {  	s7 =	smul.u32 @!p0 $0xF7A, s2;
	p2 =	seq.s32 @!p0 s5, $0x0  }
0x1f: {  	s9 =	smul.u32 $0xF7A, s1;
	s8 =	simm.s32 @!p0 $0x1BF5;
	p2 =	por !p2, p0  }
0x20: {  	[sflag:s8] =	ssyncset.s32 @!p0 $0xFFFFF086;
	s6 =	sadd.s32 @!p0 s3, s7;
	s7 =	simm.s32 @!p0 $0x108  }
0x21: {  	s3 =	sadd.s32 s3, s9;
	s6 =	sadd.s32 @!p0 $0x88, s6;
	s7 =	simm.s32 @p2 $0x1082  }
0x22: {  	[simem:s7], [sflag:s8] =	dma.local @!p0 [hbm:s6], $0xF7A  }
0x23: {  	s9 =	sor.u32 $0xD0000000, s2;
	s6 =	simm.s32 $0x108;
	_ =	swait.ge @!p0 [sflag:s8], $0x0  }
0x24: {  	s3 =	sadd.s32 $0x88, s3;
	s6 =	simm.s32 @!p1 $0x1082;
	[sflag:s4] =	ssyncset.s32 $0xFFFFF086  }
0x25: {  	[simem:s6], [sflag:s4] =	dma.local [hbm:s3], $0xF7A  }
0x26: {  	[smem:$0x3F9F] =	sst s1;
	(tag) =	ssettag s2;
	_ =	strace s9  }
0x27: {  	s1 =	sld [smem:$0x3FAF]  }
0x28: {  	s2 =	sld [smem:$0x3FB0]  }
0x29: {  	s4 =	sld [smem:$0x3FB2]  }
0x2a: {  	p0 =	seq.s32 s5, $0x0;
	s5 =	sld [smem:$0x3FB3]  }
0x2b: {  	s6 =	sld [smem:$0x3FB4]  }
0x2c: {  	s7 =	sld [smem:$0x3FB5]  }
0x2d: {  	s3 =	simm.s32 $0x108;
	s8 =	sld [smem:$0x3FB6]  }
0x2e: {  	s3 =	simm.s32 @!p0 $0x1082;
	s9 =	sld [smem:$0x3FB7]  }
0x2f: {  	lr =	sadd.s32 s0, s3;
	s0 =	sld [smem:$0x3FAE]  }
0x30: {  	s3 =	sld [smem:$0x3FB1]  }
0x31: {  	[smem:$0x3FBA] =	sst s10  }
0x32: {  	s10 =	sld [smem:$0x3FB8];
	_ =	sdelay $0x3  }
0x33: {  	p0 =	seq.s32 s10, $0x1;
	s10 =	sld [smem:$0x3FBA];
	_ =	sdelay $0x3  }
0x34: {  	[smem:$0x3FBA] =	sst s10  }
0x35: {  	s10 =	sld [smem:$0x3FB9];
	_ =	sdelay $0x3  }
0x36: {  	p1 =	seq.s32 s10, $0x1;
	s10 =	sld [smem:$0x3FBA];
	_ =	sdelay $0x3  }
0x37: {  	[smem:$0x3FBA] =	sst s10  }
0x38: {  	s10 =	sld [smem:$0x3FBB]  }
0x39: {  	_ = 	snop;
	(pc) =	sbr.ind lr, $3  }
0x3a: {  	_ = 	snop  }
0x3b: {  	_ = 	snop  }
0x3c: {  	p2 =	seq.s32 s10, $0x1;
	s10 =	sld [smem:$0x3FBA]  }
0x3d: {  	_ =	shalt  }
0x3e: {  	_ =	shalt  }
0x3f: {  	_ =	shalt  }
0x40: {  	_ =	shalt  }
0x41: {  	_ =	shalt  }
0x42: {  	_ =	shalt  }
0x43: {  	_ =	shalt  }
0x44: {  	_ =	shalt  }
0x45: {  	_ =	shalt  }
0x46: {  	_ =	shalt  }
0x47: {  	_ =	shalt  }
0x48: {  	_ =	shalt  }
0x49: {  	_ =	shalt  }
0x4a: {  	_ =	shalt  }
0x4b: {  	_ =	shalt  }
0x4c: {  	_ =	shalt  }
0x4d: {  	_ =	shalt  }
0x4e: {  	_ =	shalt  }
0x4f: {  	_ =	shalt  }
0x50: {  	_ =	shalt  }
0x51: {  	_ =	shalt  }
0x52: {  	_ =	shalt  }
0x53: {  	_ =	shalt  }
0x54: {  	_ =	shalt  }
0x55: {  	_ =	shalt  }
0x56: {  	_ =	shalt  }
0x57: {  	_ =	shalt  }
0x58: {  	_ =	shalt  }
0x59: {  	_ =	shalt  }
0x5a: {  	_ =	shalt  }
0x5b: {  	_ =	shalt  }
0x5c: {  	_ =	shalt  }
0x5d: {  	_ =	shalt  }
0x5e: {  	_ =	shalt  }
0x5f: {  	_ =	shalt  }
0x60: {  	_ =	shalt  }
0x61: {  	_ =	shalt  }
0x62: {  	_ =	shalt  }
0x63: {  	_ =	shalt  }
0x64: {  	_ =	shalt  }
0x65: {  	_ =	shalt  }
0x66: {  	_ =	shalt  }
0x67: {  	_ =	shalt  }
0x68: {  	_ =	shalt  }
0x69: {  	_ =	shalt  }
0x6a: {  	_ =	shalt  }
0x6b: {  	_ =	shalt  }
0x6c: {  	_ =	shalt  }
0x6d: {  	_ =	shalt  }
0x6e: {  	_ =	shalt  }
0x6f: {  	_ =	shalt  }
0x70: {  	_ =	shalt  }
0x71: {  	_ =	shalt  }
0x72: {  	_ =	shalt  }
0x73: {  	_ =	shalt  }
0x74: {  	_ =	shalt  }
0x75: {  	_ =	shalt  }
0x76: {  	_ =	shalt  }
0x77: {  	_ =	shalt  }
0x78: {  	_ =	shalt  }
0x79: {  	_ =	shalt  }
0x7a: {  	_ =	shalt  }
0x7b: {  	_ =	shalt  }
0x7c: {  	_ =	shalt  }
0x7d: {  	_ =	shalt  }
0x7e: {  	_ =	shalt  }
0x7f: {  	_ =	shalt  }
0x80: {  	_ =	shalt  }
0x81: {  	_ =	shalt  }
0x82: {  	_ =	shalt  }
0x83: {  	_ =	shalt  }
0x84: {  	_ =	shalt  }
0x85: {  	_ =	shalt  }
0x86: {  	_ =	shalt  }
0x87: {  	_ =	shalt  }
.Lfunc_end0:
.L_simem_size_0:
called_computation_lowered:
.L_overlay_start_0:
0x88: {  	s0 =	sld [smem:$0x3FD9]  }
0x89: {  	s1 =	sld [smem:$0x3FFE];
	_ =	sdelay $0x3  }
0x8a: {  	s0 =	sadd.s32 s1, s0  }
0x8b: {  	s4 =	simm.s32 $0x0;
	[smem:$0x3FC6] =	sst s0  }
0x8c: {  	[smem:$0xF] =	sst s4  }
0x8d: {  	s0 =	sld [smem:$0x3FC9]  }
0x8e: {  	s2 =	sld [smem:$0x3FC8]  }
0x8f: {  	s1 =	sld [smem:$0x3FD0];
	(tm) =	ssettm $0x1  }
0x90: {  	s3 =	sld [smem:$0x3FFB];
	_ =	sdelay $0x3  }
0x91: {  	_ =	strace s3  }
0x92: {  	s3 =	sld [smem:$0x3FFC];
	_ =	sdelay $0x3  }
0x93: {  	_ =	strace s3  }
0x94: {  	s3 =	sld [smem:$0x3FFD];
	_ =	sdelay $0x3  }
0x95: {  	_ =	strace s3  }
0x96: {  	s23 =	simm.s32 $0x1B8B;
	_ =	strace $0x8FFFFFFF  }
0x97: {  	_ =	swait.ge [sflag:s23], $0x1  }
0x98: {  	[sflag:s23] =	ssyncset.done $0x0  }
0x99: {  	s24 =	simm.s32 $0x1B8E;
	[sflag:s23] =	ssyncadd.s32 $0xFFFFFFFF  }
0x9a: {  	[smem:$0x3FD2] =	sst s24  }
0x9b: {  	s25 =	simm.s32 $0xA;
	s5 =	simm.s32 $0x10;
	_ =	strace $0x80000046  }
0x9c: {  	[smem:s5], [sflag:s25] =	dma.local [hbm:s2], $0x10  }
0x9d: {  	_ =	swait.ge [sflag:s25], $0x10  }
0x9e: {  	[sflag:s25] =	ssyncset.done $0x0  }
0x9f: {  	[sflag:s25] =	ssyncadd.s32 $0xFFFFFFF0  }
0xa0: {  	s26 =	sld [smem:$0x10];
	_ =	sdelay $0x3  }
0xa1: {  	s2 =	sshll.u32 s26, $0x4  }
0xa2: {  	s28 =	sand.u32 $0x1FFFFFF0, s2  }
0xa3: {  	s29 =	sadd.s32 $0x0, s1;
	s2 =	simm.s32 $0x9;
	s3 =	sadd.s32 s0, s28  }
0xa4: {  	[hbm:s29], [sflag:s2] =	dma.local [hbm:s3], $0x10  }
0xa5: {  	s3 =	sld [smem:$0x11];
	_ =	sdelay $0x3  }
0xa6: {  	s6 =	simm.s32 $0x10;
	s30 =	sand.u32 $0x380, s4;
	s3 =	sshll.u32 s3, $0x4  }
0xa7: {  	s6 =	sand.u32 $0x50, s6;
	s5 =	sadd.s32 s1, s30;
	s3 =	sand.u32 $0x1FFFFFF0, s3  }
0xa8: {  	s6 =	sadd.s32 s6, s5;
	s3 =	sadd.s32 s0, s3  }
0xa9: {  	[hbm:s6], [sflag:s2] =	dma.local [hbm:s3], $0x10  }
0xaa: {  	s3 =	sld [smem:$0x12];
	_ =	sdelay $0x3  }
0xab: {  	s31 =	simm.s32 $0x20;
	s3 =	sshll.u32 s3, $0x4  }
0xac: {  	s6 =	sand.u32 $0x60, s31;
	s3 =	sand.u32 $0x1FFFFFF0, s3  }
0xad: {  	s6 =	sadd.s32 s6, s5;
	s3 =	sadd.s32 s0, s3  }
0xae: {  	[hbm:s6], [sflag:s2] =	dma.local [hbm:s3], $0x10  }
0xaf: {  	s6 =	sld [smem:$0x13];
	_ =	sdelay $0x2  }
0xb0: {  	s7 =	sand.u32 $0x40, s4  }
0xb1: {  	s5 =	sadd.s32 s7, s5;
	s6 =	sshll.u32 s6, $0x4  }
0xb2: {  	s4 =	simm.s32 $0x40;
	s7 =	sadd.s32 $0x30, s5;
	s6 =	sand.u32 $0x1FFFFFF0, s6  }
0xb3: {  	s5 =	simm.s32 $0x16;
	s3 =	srdreg.scid;
	s6 =	sadd.s32 s0, s6  }
.LBB1_1:
0xb4: {  	[hbm:s7], [sflag:s2] =	dma.local [hbm:s6], $0x10  }
0xb5: {  	s6 =	smov.u32 s4  }
0xb6: {  	p0 =	sne.s32 s4, $0x3C0;
	s4 =	sadd.s32 $0x40, s4;
	s7 =	sld [smem:s5+$0xFFFFFFFE]  }
0xb7: {  	_ =	sdelay $0x2  }
0xb8: {  	s7 =	sshll.u32 s7, $0x4  }
0xb9: {  	s7 =	sand.u32 $0x1FFFFFF0, s7  }
0xba: {  	s8 =	sadd.s32 s6, s1;
	s7 =	sadd.s32 s0, s7  }
0xbb: {  	[hbm:s8], [sflag:s2] =	dma.local [hbm:s7], $0x10  }
0xbc: {  	s7 =	sld [smem:s5+$0xFFFFFFFF];
	_ =	sdelay $0x2  }
0xbd: {  	s8 =	sand.u32 $0x40, s6  }
0xbe: {  	s9 =	sand.u32 $0x380, s6;
	s10 =	sadd.s32 $0x10, s6;
	s7 =	sshll.u32 s7, $0x4  }
0xbf: {  	s10 =	sand.u32 $0x50, s10;
	s9 =	sadd.s32 s1, s9;
	s7 =	sand.u32 $0x1FFFFFF0, s7  }
0xc0: {  	s10 =	sadd.s32 s10, s9;
	s8 =	sadd.s32 s8, s9;
	s7 =	sadd.s32 s0, s7  }
0xc1: {  	[hbm:s10], [sflag:s2] =	dma.local [hbm:s7], $0x10  }
0xc2: {  	s7 =	sld [smem:s5+$0x0];
	_ =	sdelay $0x3  }
0xc3: {  	s6 =	sadd.s32 $0x20, s6;
	s7 =	sshll.u32 s7, $0x4  }
0xc4: {  	s6 =	sand.u32 $0x60, s6;
	s7 =	sand.u32 $0x1FFFFFF0, s7  }
0xc5: {  	s6 =	sadd.s32 s6, s9;
	s7 =	sadd.s32 s0, s7  }
0xc6: {  	[hbm:s6], [sflag:s2] =	dma.local [hbm:s7], $0x10  }
0xc7: {  	s6 =	sld [smem:s5+$0x1];
	_ =	sdelay $0x2  }
.Ltmp0:
0xc8: {  	(pc) =	sbr.rel @p0 .LBB1_1-.Ltmp0, $3  }
0xc9: {  	s6 =	sshll.u32 s6, $0x4  }
0xca: {  	s6 =	sand.u32 $0x1FFFFFF0, s6  }
0xcb: {  	s7 =	sadd.s32 $0x30, s8;
	s5 =	sadd.s32 $0x4, s5;
	s6 =	sadd.s32 s0, s6  }
0xcc: {  	[hbm:s7], [sflag:s2] =	dma.local [hbm:s6], $0x10  }
0xcd: {  	s0 =	simm.s32 $0x9  }
0xce: {  	_ =	swait.ge [sflag:s0], $0x400  }
0xcf: {  	[sflag:s0] =	ssyncset.done $0x0  }
0xd0: {  	[sflag:s0] =	ssyncadd.s32 $0xFFFFFC00  }
0xd1: {  	_ =	strace $0x90000046  }
0xd2: {  	_ =	sfence  }
0xd3: {  	s29 =	sld [smem:$0x0];
	_ =	sdelay $0x2  }
0xd4: {  	s1 =	sshll.u32 s3, $0xD;
	s30 =	sshrl.u32 s3, $0x2  }
0xd5: {  	s31 =	sand.u32 $0x1, s3;
	s1 =	sand.u32 $0x4000, s1;
	s0 =	sadd.s32 s30, s29  }
0xd6: {  	s1 =	sor.u32 s1, s31;
	s0 =	sshll.u32 s0, $0x11  }
0xd7: {  	s0 =	sor.u32 s0, s1  }
0xd8: {  	s0 =	sadd.s32 $0x8F2B, s0;
	(pc) =	sbr.abs _section_cstart, $3  }
0xd9: {  	[sflag:s0] =	ssyncadd.remote.s32 $0x1  }
0xda: {  	_ =	strace $0x9FFFFFFF  }
0xdb: {  	(tm) =	ssettm $0x7FFFFFFF  }

</sc_bundles>
